<compile_context>
chip_gen: v7x
topology: tpu7x:2x2x1
jax: 0.10.2.dev20260603
libtpu: 0.0.44.dev20260713+nightly
codegen_flags: <defaults>
</compile_context>

<pallas_src>
import jax
import jax.numpy as jnp
from jax import lax
from jax.experimental import pallas as pl
from jax.experimental.pallas import tpu as pltpu
from jax.experimental.pallas import tpu_sc as plsc

_N = 524288
_LANES = 16

_info = plsc.get_sparse_core_info()
_NC = _info.num_cores
_NS = _info.num_subcores
_NW = _NC * _NS
_CHUNK = _N // _NW
_NBUF = 2
_SUB = _CHUNK // _NBUF


def _clamp_body(x_hbm, vals_hbm, out_hbm, vals_v, buf_v, in_sem, out_sem):
    wid = lax.axis_index("s") * _NC + lax.axis_index("c")
    base = wid * _CHUNK

    in_copies = [
        pltpu.async_copy(
            x_hbm.at[pl.ds(base + j * _SUB, _SUB)],
            buf_v.at[pl.ds(j * _SUB, _SUB)],
            in_sem,
        )
        for j in range(_NBUF)
    ]

    pltpu.sync_copy(vals_hbm, vals_v)
    head = vals_v[pl.ds(0, _LANES)]
    tail = vals_v[pl.ds(64 - _LANES, _LANES)]
    lo_vec = jnp.full((_LANES,), head[0], jnp.float32)
    hi_vec = jnp.full((_LANES,), tail[_LANES - 1], jnp.float32)

    out_copies = []
    for j in range(_NBUF):
        in_copies[j].wait()

        @plsc.parallel_loop(j * _SUB, (j + 1) * _SUB, _LANES, unroll=8)
        def _(i):
            sl = pl.ds(i, _LANES)
            buf_v[sl] = jnp.minimum(jnp.maximum(buf_v[sl], lo_vec), hi_vec)

        out_copies.append(
            pltpu.async_copy(
                buf_v.at[pl.ds(j * _SUB, _SUB)],
                out_hbm.at[pl.ds(base + j * _SUB, _SUB)],
                out_sem,
            )
        )

    for c in out_copies:
        c.wait()


@jax.jit
def kernel(tensor_input, values):
    x = tensor_input.reshape(_N)
    out = pl.kernel(
        _clamp_body,
        out_type=jax.ShapeDtypeStruct((_N,), jnp.float32),
        mesh=plsc.VectorSubcoreMesh(core_axis_name="c", subcore_axis_name="s"),
        scratch_types=[
            pltpu.VMEM((64,), jnp.float32),
            pltpu.VMEM((_CHUNK,), jnp.float32),
            pltpu.SemaphoreType.DMA,
            pltpu.SemaphoreType.DMA,
        ],
    )(x, values)
    return out.reshape(_N, 1)

# --- scband reference (transcript-rebuilt; emitter-appended) ---
"""Pipeline reference for scband-limit-layer-18648747999269 (READ-ONLY COPY).

The authoritative reference and input builder live on the scoring server;
editing this copy changes nothing except your own understanding.
"""

import jax, jax.numpy as jnp
import numpy as np

# data_dict has zero-padded string keys '00'..'63' mapping to 0.0..6.3.
# The layer sorts the values; keys '00' (min) and '63' (max) give clamp bounds.
_VALUES = np.round(np.arange(64, dtype=np.float64) * 0.1, 1).astype(np.float32)


def setup_inputs(seed: int = 0) -> dict:
    key = jax.random.key(seed)
    tensor_input = jax.random.normal(key, (524288, 1), dtype=jnp.float32)
    values = jnp.asarray(_VALUES)  # sorted lookup-table values (constants in the TF layer)
    return {"tensor_input": tensor_input, "values": values}


def reference(tensor_input, values):
    # max_class = data_dict[max(keys)] ('63' -> 6.3); min_class = data_dict[min(keys)] ('00' -> 0.0)
    max_class = values[-1]
    min_class = values[0]
    min_tf = jnp.minimum(tensor_input, max_class)
    min_tf = jnp.maximum(min_tf, min_class)
    # nearest-bin search (computed by the layer, though its result is not returned)
    diffs = jnp.abs(min_tf - values[None, :])        # [N, V]
    min_index = jnp.argmin(diffs, axis=1)            # [N]
    out = jnp.take(values, min_index, axis=0)        # StaticHashTable lookup: id -> value
    out = jnp.reshape(out, (tensor_input.shape[0], 1))
    # The original layer returns min_tf (the clamped input), not `out`.
    return min_tf

if __name__ == "__main__":
    import jax
    _d = setup_inputs()
    print(jax.jit(kernel)(*tuple(_d.values())))

</pallas_src>

<mosaic_0001>
#map = affine_map<(d0, d1) -> (0)>
module attributes {stable_mosaic.version = 14 : i64} {
  func.func @_clamp_body(%arg0: i32, %arg1: i32, %arg2: memref<524288xf32, #tpu.memory_space<hbm>>, %arg3: memref<64xf32, #tpu.memory_space<hbm>>, %arg4: memref<524288xf32, #tpu.memory_space<hbm>>, %arg5: memref<64xf32, #tpu.memory_space<vmem>>, %arg6: memref<16384xf32, #tpu.memory_space<vmem>>, %arg7: memref<!tpu.dma_semaphore, #tpu.memory_space<semaphore_mem>>, %arg8: memref<!tpu.dma_semaphore, #tpu.memory_space<semaphore_mem>>) attributes {dimension_semantics = [#tpu.dimension_semantics<core_parallel>, #tpu.dimension_semantics<subcore_parallel>], iteration_bounds = array<i64: 2, 16>, scalar_prefetch = 0 : i64, scratch_operands = 4 : i64, tpu.core_type = #tpu.core_type<sc_vector_subcore>, window_params = [{transform_indices = #map}, {transform_indices = #map}, {transform_indices = #map}]} {
    %mul3A = arith.constant 2 : i32
    %mul3A_0 = arith.muli %arg1, %mul3A : i32
    %add3A = arith.addi %mul3A_0, %arg0 : i32
    %mul3A_1 = arith.constant 16384 : i32
    %mul3A_2 = arith.muli %add3A, %mul3A_1 : i32
    %add3A_3 = arith.constant 0 : i32
    %add3A_4 = arith.addi %mul3A_2, %add3A_3 : i32
    %dma_start3A = arith.constant 0 : i32
    %dma_start3A_5 = tpu.memref_slice %arg6[%dma_start3A] : memref<16384xf32, #tpu.memory_space<vmem>> -> memref<8192xf32, #tpu.memory_space<vmem>>
    %dma_start3A_6 = tpu.memref_slice %arg2[%add3A_4] : memref<524288xf32, #tpu.memory_space<hbm>> -> memref<8192xf32, #tpu.memory_space<hbm>>
    %dma_start3A_7 = arith.constant 0 : i32
    %dma_start3A_8 = tpu.memref_slice %arg6[%dma_start3A_7] : memref<16384xf32, #tpu.memory_space<vmem>> -> memref<8192xf32, #tpu.memory_space<vmem>>
    %dma_start3A_9 = tpu.memref_slice %arg2[%add3A_4] : memref<524288xf32, #tpu.memory_space<hbm>> -> memref<8192xf32, #tpu.memory_space<hbm>>
    tpu.enqueue_dma source(%dma_start3A_9 : memref<8192xf32, #tpu.memory_space<hbm>>) target(%dma_start3A_8 : memref<8192xf32, #tpu.memory_space<vmem>>) target_semaphore(%arg7 : memref<!tpu.dma_semaphore, #tpu.memory_space<semaphore_mem>>)
    %add3A_10 = arith.constant 8192 : i32
    %add3A_11 = arith.addi %mul3A_2, %add3A_10 : i32
    %dma_start3A_12 = arith.constant 8192 : i32
    %dma_start3A_13 = tpu.memref_slice %arg6[%dma_start3A_12] : memref<16384xf32, #tpu.memory_space<vmem>> -> memref<8192xf32, #tpu.memory_space<vmem>>
    %dma_start3A_14 = tpu.memref_slice %arg2[%add3A_11] : memref<524288xf32, #tpu.memory_space<hbm>> -> memref<8192xf32, #tpu.memory_space<hbm>>
    %dma_start3A_15 = arith.constant 8192 : i32
    %dma_start3A_16 = tpu.memref_slice %arg6[%dma_start3A_15] : memref<16384xf32, #tpu.memory_space<vmem>> -> memref<8192xf32, #tpu.memory_space<vmem>>
    %dma_start3A_17 = tpu.memref_slice %arg2[%add3A_11] : memref<524288xf32, #tpu.memory_space<hbm>> -> memref<8192xf32, #tpu.memory_space<hbm>>
    tpu.enqueue_dma source(%dma_start3A_17 : memref<8192xf32, #tpu.memory_space<hbm>>) target(%dma_start3A_16 : memref<8192xf32, #tpu.memory_space<vmem>>) target_semaphore(%arg7 : memref<!tpu.dma_semaphore, #tpu.memory_space<semaphore_mem>>)
    "tpu.region"() ({
      %run_scoped3A = tpu.sem_alloc : memref<!tpu.dma_semaphore, #tpu.memory_space<semaphore_mem>>
      tpu.enqueue_dma source(%arg3 : memref<64xf32, #tpu.memory_space<hbm>>) target(%arg5 : memref<64xf32, #tpu.memory_space<vmem>>) target_semaphore(%run_scoped3A : memref<!tpu.dma_semaphore, #tpu.memory_space<semaphore_mem>>)
      tpu.wait_dma2 semaphore(%run_scoped3A : memref<!tpu.dma_semaphore, #tpu.memory_space<semaphore_mem>>) src(%arg3 : memref<64xf32, #tpu.memory_space<hbm>>) dst(%arg5 : memref<64xf32, #tpu.memory_space<vmem>>)
      tpu.yield
    }) : () -> ()
    %get3A = arith.constant 0 : index
    %get3A_18 = tpu.vector_load %arg5[%get3A] {strides = array<i32>} : memref<64xf32, #tpu.memory_space<vmem>>, vector<16xf32>,
    %get3A_19 = vector.shape_cast %get3A_18 : vector<16xf32> to vector<16xf32>
    %get3A_20 = arith.constant 48 : index
    %get3A_21 = tpu.vector_load %arg5[%get3A_20] {strides = array<i32>} : memref<64xf32, #tpu.memory_space<vmem>>, vector<16xf32>,
    %get3A_22 = vector.shape_cast %get3A_21 : vector<16xf32> to vector<16xf32>
    %slice3A = vector.extract_strided_slice %get3A_19 {offsets = [0], sizes = [1], strides = [1]} : vector<16xf32> to vector<1xf32>
    %squeeze3A = vector.extract %slice3A[0] : f32 from vector<1xf32>
    %broadcast_in_dim3A = vector.broadcast %squeeze3A : f32 to vector<16xf32>
    %slice3A_23 = vector.extract_strided_slice %get3A_22 {offsets = [15], sizes = [1], strides = [1]} : vector<16xf32> to vector<1xf32>
    %squeeze3A_24 = vector.extract %slice3A_23[0] : f32 from vector<1xf32>
    %broadcast_in_dim3A_25 = vector.broadcast %squeeze3A_24 : f32 to vector<16xf32>
    %dma_wait3A = arith.constant 0 : i32
    %dma_wait3A_26 = tpu.memref_slice %arg6[%dma_wait3A] : memref<16384xf32, #tpu.memory_space<vmem>> -> memref<8192xf32, #tpu.memory_space<vmem>>
    %dma_wait3A_27 = tpu.memref_slice %arg2[%add3A_4] : memref<524288xf32, #tpu.memory_space<hbm>> -> memref<8192xf32, #tpu.memory_space<hbm>>
    %dma_wait3A_28 = arith.constant 0 : i32
    %dma_wait3A_29 = tpu.memref_slice %arg6[%dma_wait3A_28] : memref<16384xf32, #tpu.memory_space<vmem>> -> memref<8192xf32, #tpu.memory_space<vmem>>
    %dma_wait3A_30 = tpu.memref_slice %arg2[%add3A_4] : memref<524288xf32, #tpu.memory_space<hbm>> -> memref<8192xf32, #tpu.memory_space<hbm>>
    tpu.wait_dma2 semaphore(%arg7 : memref<!tpu.dma_semaphore, #tpu.memory_space<semaphore_mem>>) src(%dma_wait3A_30 : memref<8192xf32, #tpu.memory_space<hbm>>) dst(%dma_wait3A_29 : memref<8192xf32, #tpu.memory_space<vmem>>)
    %parallel_loop3A = arith.constant 0 : i32
    %parallel_loop3A_31 = arith.constant 8192 : i32
    %parallel_loop3A_32 = arith.constant 16 : i32
    scf.for %parallel_loop3A_70 = %parallel_loop3A to %parallel_loop3A_31 step %parallel_loop3A_32  : i32 {
      %parallel_loop3A_71 = arith.index_cast %parallel_loop3A_70 : i32 to index
      %parallel_loop3A_72 = tpu.vector_load %arg6[%parallel_loop3A_71] {strides = array<i32>} : memref<16384xf32, #tpu.memory_space<vmem>>, vector<16xf32>,
      %parallel_loop3A_73 = vector.shape_cast %parallel_loop3A_72 : vector<16xf32> to vector<16xf32>
      %parallel_loop3A_74 = arith.maximumf %parallel_loop3A_73, %broadcast_in_dim3A : vector<16xf32>
      %parallel_loop3A_75 = arith.minimumf %parallel_loop3A_74, %broadcast_in_dim3A_25 : vector<16xf32>
      %parallel_loop3A_76 = arith.index_cast %parallel_loop3A_70 : i32 to index
      %parallel_loop3A_77 = tpu.vector_load %arg6[%parallel_loop3A_76] {strides = array<i32>} : memref<16384xf32, #tpu.memory_space<vmem>>, vector<16xf32>,
      %parallel_loop3A_78 = vector.shape_cast %parallel_loop3A_77 : vector<16xf32> to vector<16xf32>
      %parallel_loop3A_79 = vector.shape_cast %parallel_loop3A_75 : vector<16xf32> to vector<16xf32>
      tpu.vector_store %arg6[%parallel_loop3A_76], %parallel_loop3A_79 {strides = array<i32>} : memref<16384xf32, #tpu.memory_space<vmem>>, vector<16xf32>,
    } {sc.loop_unroll_factor = 8 : i64, sc.parallel_access}
    %add3A_33 = arith.constant 0 : i32
    %add3A_34 = arith.addi %mul3A_2, %add3A_33 : i32
    %dma_start3A_35 = arith.constant 0 : i32
    %dma_start3A_36 = tpu.memref_slice %arg6[%dma_start3A_35] : memref<16384xf32, #tpu.memory_space<vmem>> -> memref<8192xf32, #tpu.memory_space<vmem>>
    %dma_start3A_37 = tpu.memref_slice %arg4[%add3A_34] : memref<524288xf32, #tpu.memory_space<hbm>> -> memref<8192xf32, #tpu.memory_space<hbm>>
    %dma_start3A_38 = tpu.memref_slice %arg4[%add3A_34] : memref<524288xf32, #tpu.memory_space<hbm>> -> memref<8192xf32, #tpu.memory_space<hbm>>
    %dma_start3A_39 = arith.constant 0 : i32
    %dma_start3A_40 = tpu.memref_slice %arg6[%dma_start3A_39] : memref<16384xf32, #tpu.memory_space<vmem>> -> memref<8192xf32, #tpu.memory_space<vmem>>
    tpu.enqueue_dma source(%dma_start3A_40 : memref<8192xf32, #tpu.memory_space<vmem>>) target(%dma_start3A_38 : memref<8192xf32, #tpu.memory_space<hbm>>) target_semaphore(%arg8 : memref<!tpu.dma_semaphore, #tpu.memory_space<semaphore_mem>>)
    %dma_wait3A_41 = arith.constant 8192 : i32
    %dma_wait3A_42 = tpu.memref_slice %arg6[%dma_wait3A_41] : memref<16384xf32, #tpu.memory_space<vmem>> -> memref<8192xf32, #tpu.memory_space<vmem>>
    %dma_wait3A_43 = tpu.memref_slice %arg2[%add3A_11] : memref<524288xf32, #tpu.memory_space<hbm>> -> memref<8192xf32, #tpu.memory_space<hbm>>
    %dma_wait3A_44 = arith.constant 8192 : i32
    %dma_wait3A_45 = tpu.memref_slice %arg6[%dma_wait3A_44] : memref<16384xf32, #tpu.memory_space<vmem>> -> memref<8192xf32, #tpu.memory_space<vmem>>
    %dma_wait3A_46 = tpu.memref_slice %arg2[%add3A_11] : memref<524288xf32, #tpu.memory_space<hbm>> -> memref<8192xf32, #tpu.memory_space<hbm>>
    tpu.wait_dma2 semaphore(%arg7 : memref<!tpu.dma_semaphore, #tpu.memory_space<semaphore_mem>>) src(%dma_wait3A_46 : memref<8192xf32, #tpu.memory_space<hbm>>) dst(%dma_wait3A_45 : memref<8192xf32, #tpu.memory_space<vmem>>)
    %parallel_loop3A_47 = arith.constant 8192 : i32
    %parallel_loop3A_48 = arith.constant 16384 : i32
    %parallel_loop3A_49 = arith.constant 16 : i32
    scf.for %parallel_loop3A_70 = %parallel_loop3A_47 to %parallel_loop3A_48 step %parallel_loop3A_49  : i32 {
      %parallel_loop3A_71 = arith.index_cast %parallel_loop3A_70 : i32 to index
      %parallel_loop3A_72 = tpu.vector_load %arg6[%parallel_loop3A_71] {strides = array<i32>} : memref<16384xf32, #tpu.memory_space<vmem>>, vector<16xf32>,
      %parallel_loop3A_73 = vector.shape_cast %parallel_loop3A_72 : vector<16xf32> to vector<16xf32>
      %parallel_loop3A_74 = arith.maximumf %parallel_loop3A_73, %broadcast_in_dim3A : vector<16xf32>
      %parallel_loop3A_75 = arith.minimumf %parallel_loop3A_74, %broadcast_in_dim3A_25 : vector<16xf32>
      %parallel_loop3A_76 = arith.index_cast %parallel_loop3A_70 : i32 to index
      %parallel_loop3A_77 = tpu.vector_load %arg6[%parallel_loop3A_76] {strides = array<i32>} : memref<16384xf32, #tpu.memory_space<vmem>>, vector<16xf32>,
      %parallel_loop3A_78 = vector.shape_cast %parallel_loop3A_77 : vector<16xf32> to vector<16xf32>
      %parallel_loop3A_79 = vector.shape_cast %parallel_loop3A_75 : vector<16xf32> to vector<16xf32>
      tpu.vector_store %arg6[%parallel_loop3A_76], %parallel_loop3A_79 {strides = array<i32>} : memref<16384xf32, #tpu.memory_space<vmem>>, vector<16xf32>,
    } {sc.loop_unroll_factor = 8 : i64, sc.parallel_access}
    %add3A_50 = arith.constant 8192 : i32
    %add3A_51 = arith.addi %mul3A_2, %add3A_50 : i32
    %dma_start3A_52 = arith.constant 8192 : i32
    %dma_start3A_53 = tpu.memref_slice %arg6[%dma_start3A_52] : memref<16384xf32, #tpu.memory_space<vmem>> -> memref<8192xf32, #tpu.memory_space<vmem>>
    %dma_start3A_54 = tpu.memref_slice %arg4[%add3A_51] : memref<524288xf32, #tpu.memory_space<hbm>> -> memref<8192xf32, #tpu.memory_space<hbm>>
    %dma_start3A_55 = tpu.memref_slice %arg4[%add3A_51] : memref<524288xf32, #tpu.memory_space<hbm>> -> memref<8192xf32, #tpu.memory_space<hbm>>
    %dma_start3A_56 = arith.constant 8192 : i32
    %dma_start3A_57 = tpu.memref_slice %arg6[%dma_start3A_56] : memref<16384xf32, #tpu.memory_space<vmem>> -> memref<8192xf32, #tpu.memory_space<vmem>>
    tpu.enqueue_dma source(%dma_start3A_57 : memref<8192xf32, #tpu.memory_space<vmem>>) target(%dma_start3A_55 : memref<8192xf32, #tpu.memory_space<hbm>>) target_semaphore(%arg8 : memref<!tpu.dma_semaphore, #tpu.memory_space<semaphore_mem>>)
    %dma_wait3A_58 = arith.constant 0 : i32
    %dma_wait3A_59 = tpu.memref_slice %arg6[%dma_wait3A_58] : memref<16384xf32, #tpu.memory_space<vmem>> -> memref<8192xf32, #tpu.memory_space<vmem>>
    %dma_wait3A_60 = tpu.memref_slice %arg4[%add3A_34] : memref<524288xf32, #tpu.memory_space<hbm>> -> memref<8192xf32, #tpu.memory_space<hbm>>
    %dma_wait3A_61 = tpu.memref_slice %arg4[%add3A_34] : memref<524288xf32, #tpu.memory_space<hbm>> -> memref<8192xf32, #tpu.memory_space<hbm>>
    %dma_wait3A_62 = arith.constant 0 : i32
    %dma_wait3A_63 = tpu.memref_slice %arg6[%dma_wait3A_62] : memref<16384xf32, #tpu.memory_space<vmem>> -> memref<8192xf32, #tpu.memory_space<vmem>>
    tpu.wait_dma2 semaphore(%arg8 : memref<!tpu.dma_semaphore, #tpu.memory_space<semaphore_mem>>) src(%dma_wait3A_63 : memref<8192xf32, #tpu.memory_space<vmem>>) dst(%dma_wait3A_61 : memref<8192xf32, #tpu.memory_space<hbm>>)
    %dma_wait3A_64 = arith.constant 8192 : i32
    %dma_wait3A_65 = tpu.memref_slice %arg6[%dma_wait3A_64] : memref<16384xf32, #tpu.memory_space<vmem>> -> memref<8192xf32, #tpu.memory_space<vmem>>
    %dma_wait3A_66 = tpu.memref_slice %arg4[%add3A_51] : memref<524288xf32, #tpu.memory_space<hbm>> -> memref<8192xf32, #tpu.memory_space<hbm>>
    %dma_wait3A_67 = tpu.memref_slice %arg4[%add3A_51] : memref<524288xf32, #tpu.memory_space<hbm>> -> memref<8192xf32, #tpu.memory_space<hbm>>
    %dma_wait3A_68 = arith.constant 8192 : i32
    %dma_wait3A_69 = tpu.memref_slice %arg6[%dma_wait3A_68] : memref<16384xf32, #tpu.memory_space<vmem>> -> memref<8192xf32, #tpu.memory_space<vmem>>
    tpu.wait_dma2 semaphore(%arg8 : memref<!tpu.dma_semaphore, #tpu.memory_space<semaphore_mem>>) src(%dma_wait3A_69 : memref<8192xf32, #tpu.memory_space<vmem>>) dst(%dma_wait3A_67 : memref<8192xf32, #tpu.memory_space<hbm>>)
    return
  }
}

</mosaic_0001>

<sc_bundles>
// kernel: kernel.3.cloned.1.call-start
scs
__scs_entry_jumppad:
0x0: {  	(pc) =	sbr.rel $0x88, $3  }
0x1: {  	(tag) =	ssettag $0x0;
	lr =	simm.s32 $0x1  }
0x2: {  	[smem:$0x3F9F] =	sst lr;
	_ =	strace $0xD0000000  }
0x3: {  	_ = 	snop  }
0x4: {  	_ = 	snop  }
0x5: {  	_ = 	snop  }
0x6: {  	_ = 	snop  }
0x7: {  	_ = 	snop  }
__scs_overlays_trampoline_lowered:
0x8: {  	[smem:$0x3FAE] =	sst s0  }
0x9: {  	[smem:$0x3FAF] =	sst s1  }
0xa: {  	[smem:$0x3FB0] =	sst s2  }
0xb: {  	[smem:$0x3FB1] =	sst s3  }
0xc: {  	[smem:$0x3FB2] =	sst s4  }
0xd: {  	[smem:$0x3FB3] =	sst s5  }
0xe: {  	[smem:$0x3FB4] =	sst s6  }
0xf: {  	[smem:$0x3FB5] =	sst s7  }
0x10: {  	[smem:$0x3FB6] =	sst s8  }
0x11: {  	[smem:$0x3FB7] =	sst s9;
	s0 =	simm.s32 @!p0 $0x0  }
0x12: {  	s1 =	sld [smem:$0x3F9D];
	s0 =	simm.s32 @p0 $0x1  }
0x13: {  	[smem:$0x3FB8] =	sst s0;
	s0 =	simm.s32 @!p1 $0x0  }
0x14: {  	s2 =	sld [smem:$0x3F9C];
	s0 =	simm.s32 @p1 $0x1  }
0x15: {  	[smem:$0x3FB9] =	sst s0;
	s0 =	simm.s32 @!p2 $0x0  }
0x16: {  	s3 =	sld [smem:$0x3FDB];
	s0 =	simm.s32 @p2 $0x1  }
0x17: {  	s4 =	simm.s32 $0x1BF5;
	[smem:$0x3FBB] =	sst s0  }
0x18: {  	s0 =	sld [smem:$0x3F9E];
	_ =	swait.ge [sflag:s4], $0x0  }
0x19: {  	s7 =	sld [smem:$0x3F9F]  }
0x1a: {  	s8 =	sadd.s32 $0xFFFFE003, lr  }
0x1b: {  	s9 =	sadd.s32 $0xFFFFFEF7, lr;
	s5 =	simm.s32 $0xFFFFFFFF;
	p2 =	slt.u32 s8, $0xFFFFF086  }
0x1c: {  	p1 =	slt.u32 s9, $0xF7A;
	s5 =	simm.s32 @!p2 $0x0  }
0x1d: {  	s5 =	simm.s32 @p1 $0x1;
	p0 =	seq.s32 s7, s2  }
0x1e: {  	s7 =	smul.u32 @!p0 $0xF7A, s2;
	p2 =	seq.s32 @!p0 s5, $0x0  }
0x1f: {  	s9 =	smul.u32 $0xF7A, s1;
	s8 =	simm.s32 @!p0 $0x1BF5;
	p2 =	por !p2, p0  }
0x20: {  	[sflag:s8] =	ssyncset.s32 @!p0 $0xFFFFF086;
	s6 =	sadd.s32 @!p0 s3, s7;
	s7 =	simm.s32 @!p0 $0x108  }
0x21: {  	s3 =	sadd.s32 s3, s9;
	s6 =	sadd.s32 @!p0 $0x88, s6;
	s7 =	simm.s32 @p2 $0x1082  }
0x22: {  	[simem:s7], [sflag:s8] =	dma.local @!p0 [hbm:s6], $0xF7A  }
0x23: {  	s9 =	sor.u32 $0xD0000000, s2;
	s6 =	simm.s32 $0x108;
	_ =	swait.ge @!p0 [sflag:s8], $0x0  }
0x24: {  	s3 =	sadd.s32 $0x88, s3;
	s6 =	simm.s32 @!p1 $0x1082;
	[sflag:s4] =	ssyncset.s32 $0xFFFFF086  }
0x25: {  	[simem:s6], [sflag:s4] =	dma.local [hbm:s3], $0xF7A  }
0x26: {  	[smem:$0x3F9F] =	sst s1;
	(tag) =	ssettag s2;
	_ =	strace s9  }
0x27: {  	s1 =	sld [smem:$0x3FAF]  }
0x28: {  	s2 =	sld [smem:$0x3FB0]  }
0x29: {  	s4 =	sld [smem:$0x3FB2]  }
0x2a: {  	p0 =	seq.s32 s5, $0x0;
	s5 =	sld [smem:$0x3FB3]  }
0x2b: {  	s6 =	sld [smem:$0x3FB4]  }
0x2c: {  	s7 =	sld [smem:$0x3FB5]  }
0x2d: {  	s3 =	simm.s32 $0x108;
	s8 =	sld [smem:$0x3FB6]  }
0x2e: {  	s3 =	simm.s32 @!p0 $0x1082;
	s9 =	sld [smem:$0x3FB7]  }
0x2f: {  	lr =	sadd.s32 s0, s3;
	s0 =	sld [smem:$0x3FAE]  }
0x30: {  	s3 =	sld [smem:$0x3FB1]  }
0x31: {  	[smem:$0x3FBA] =	sst s10  }
0x32: {  	s10 =	sld [smem:$0x3FB8];
	_ =	sdelay $0x3  }
0x33: {  	p0 =	seq.s32 s10, $0x1;
	s10 =	sld [smem:$0x3FBA];
	_ =	sdelay $0x3  }
0x34: {  	[smem:$0x3FBA] =	sst s10  }
0x35: {  	s10 =	sld [smem:$0x3FB9];
	_ =	sdelay $0x3  }
0x36: {  	p1 =	seq.s32 s10, $0x1;
	s10 =	sld [smem:$0x3FBA];
	_ =	sdelay $0x3  }
0x37: {  	[smem:$0x3FBA] =	sst s10  }
0x38: {  	s10 =	sld [smem:$0x3FBB]  }
0x39: {  	_ = 	snop;
	(pc) =	sbr.ind lr, $3  }
0x3a: {  	_ = 	snop  }
0x3b: {  	_ = 	snop  }
0x3c: {  	p2 =	seq.s32 s10, $0x1;
	s10 =	sld [smem:$0x3FBA]  }
0x3d: {  	_ =	shalt  }
0x3e: {  	_ =	shalt  }
0x3f: {  	_ =	shalt  }
0x40: {  	_ =	shalt  }
0x41: {  	_ =	shalt  }
0x42: {  	_ =	shalt  }
0x43: {  	_ =	shalt  }
0x44: {  	_ =	shalt  }
0x45: {  	_ =	shalt  }
0x46: {  	_ =	shalt  }
0x47: {  	_ =	shalt  }
0x48: {  	_ =	shalt  }
0x49: {  	_ =	shalt  }
0x4a: {  	_ =	shalt  }
0x4b: {  	_ =	shalt  }
0x4c: {  	_ =	shalt  }
0x4d: {  	_ =	shalt  }
0x4e: {  	_ =	shalt  }
0x4f: {  	_ =	shalt  }
0x50: {  	_ =	shalt  }
0x51: {  	_ =	shalt  }
0x52: {  	_ =	shalt  }
0x53: {  	_ =	shalt  }
0x54: {  	_ =	shalt  }
0x55: {  	_ =	shalt  }
0x56: {  	_ =	shalt  }
0x57: {  	_ =	shalt  }
0x58: {  	_ =	shalt  }
0x59: {  	_ =	shalt  }
0x5a: {  	_ =	shalt  }
0x5b: {  	_ =	shalt  }
0x5c: {  	_ =	shalt  }
0x5d: {  	_ =	shalt  }
0x5e: {  	_ =	shalt  }
0x5f: {  	_ =	shalt  }
0x60: {  	_ =	shalt  }
0x61: {  	_ =	shalt  }
0x62: {  	_ =	shalt  }
0x63: {  	_ =	shalt  }
0x64: {  	_ =	shalt  }
0x65: {  	_ =	shalt  }
0x66: {  	_ =	shalt  }
0x67: {  	_ =	shalt  }
0x68: {  	_ =	shalt  }
0x69: {  	_ =	shalt  }
0x6a: {  	_ =	shalt  }
0x6b: {  	_ =	shalt  }
0x6c: {  	_ =	shalt  }
0x6d: {  	_ =	shalt  }
0x6e: {  	_ =	shalt  }
0x6f: {  	_ =	shalt  }
0x70: {  	_ =	shalt  }
0x71: {  	_ =	shalt  }
0x72: {  	_ =	shalt  }
0x73: {  	_ =	shalt  }
0x74: {  	_ =	shalt  }
0x75: {  	_ =	shalt  }
0x76: {  	_ =	shalt  }
0x77: {  	_ =	shalt  }
0x78: {  	_ =	shalt  }
0x79: {  	_ =	shalt  }
0x7a: {  	_ =	shalt  }
0x7b: {  	_ =	shalt  }
0x7c: {  	_ =	shalt  }
0x7d: {  	_ =	shalt  }
0x7e: {  	_ =	shalt  }
0x7f: {  	_ =	shalt  }
0x80: {  	_ =	shalt  }
0x81: {  	_ =	shalt  }
0x82: {  	_ =	shalt  }
0x83: {  	_ =	shalt  }
0x84: {  	_ =	shalt  }
0x85: {  	_ =	shalt  }
0x86: {  	_ =	shalt  }
0x87: {  	_ =	shalt  }
.Lfunc_end0:
.L_simem_size_0:
called_computation_lowered:
.L_overlay_start_0:
0x88: {  	s2 =	sld [smem:$0x3FD9]  }
0x89: {  	s3 =	sld [smem:$0x3FFE];
	_ =	sdelay $0x1  }
0x8a: {  	s1 =	srdreg.scid  }
0x8b: {  	s0 =	sand.u32 $0x1, s1  }
0x8c: {  	s18 =	sshll.u32 s0, $0xA;
	s2 =	sadd.s32 s3, s2  }
0x8d: {  	s2 =	sadd.s32 s2, s18  }
0x8e: {  	[smem:$0x3FC6] =	sst s2  }
0x8f: {  	_ = 	snop  }
0x90: {  	s2 =	sld [smem:$0x3FC9]  }
0x91: {  	s19 =	sld [smem:$0x3FC8]  }
0x92: {  	s4 =	sld [smem:$0x3FD0];
	(tm) =	ssettm $0x1  }
0x93: {  	s5 =	sld [smem:$0x3FFB];
	_ =	sdelay $0x3  }
0x94: {  	_ =	strace s5  }
0x95: {  	s5 =	sld [smem:$0x3FFC];
	_ =	sdelay $0x3  }
0x96: {  	_ =	strace s5  }
0x97: {  	s5 =	sld [smem:$0x3FFD];
	_ =	sdelay $0x3  }
0x98: {  	_ =	strace s5  }
0x99: {  	_ =	strace $0x8FFFFFFF  }
0x9a: {  	s20 =	sld [smem:$0x3FDB];
	_ =	sdelay $0x1  }
0x9b: {  	s6 =	simm.s32 $_scs_section_size  }
0x9c: {  	s7 =	simm.s32 $_size__tile_overlayer_lowered;
	s8 =	simm.s32 $_tile_overlayer_lowered  }
0x9d: {  	s23 =	simm.s32 $0x1BFF;
	s22 =	sshll.u32 s8, $0x1;
	s5 =	sadd.s32 s6, s20  }
0x9e: {  	s9 =	simm.s32 $0x0;
	s21 =	sshll.u32 s7, $0x1;
	s7 =	sadd.s32 s22, s5  }
0x9f: {  	[timem:s9], [sflag:s23] =	dma.local [hbm:s7], s21  }
0xa0: {  	_ =	swait.ge [sflag:s23], s21  }
0xa1: {  	s6 =	ssub.s32 $0x0, s21;
	[sflag:s23] =	ssyncset.done $0x0  }
0xa2: {  	[sflag:s23] =	ssyncadd.s32 s6;
	_ =	sdelay $0x1  }
0xa3: {  	s24 =	simm.s32 $0x1B8B  }
0xa4: {  	_ =	swait.ge [sflag:s24], $0x1  }
0xa5: {  	[sflag:s24] =	ssyncset.done $0x0  }
0xa6: {  	s25 =	simm.s32 $0x1B8E;
	[sflag:s24] =	ssyncadd.s32 $0xFFFFFFFF  }
0xa7: {  	s26 =	simm.s32 $execute0_lowered;
	[smem:$0x3FD2] =	sst s25  }
0xa8: {  	s6 =	sshll.u32 s26, $0x1;
	_ =	strace $0x80000046;
	[dreg:$0x1] =	wrdreg $0xFFFFFFFF  }
0xa9: {  	s28 =	simm.s32 $_size_execute0_lowered;
	s5 =	sadd.s32 s5, s6;
	[dreg:$0x0] =	wrdreg $0x0  }
0xaa: {  	s6 =	sshll.u32 s28, $0x1;
	[dreg:$0x2] =	wrdreg s5  }
0xab: {  	[dreg:$0x3] =	wrdreg s6  }
0xac: {  	[dreg:$0x4] =	wrdreg $0xC0  }
0xad: {  	_ =	task [dreg:s9], $0x5FFFF  }
0xae: {  	[dreg:$0x1] =	wrdreg $0xFFFFFFFF  }
0xaf: {  	[dreg:$0x0] =	wrdreg $0x60  }
0xb0: {  	[dreg:$0x2] =	wrdreg s2  }
0xb1: {  	[dreg:$0x3] =	wrdreg s19  }
0xb2: {  	[dreg:$0x4] =	wrdreg s4  }
0xb3: {  	[dreg:$0x5] =	wrdreg $0x9  }
0xb4: {  	_ =	task.clear_ibuf [dreg:s9], $0x6FFFF;
	_ =	strace $0x90000046  }
0xb5: {  	s29 =	simm.s32 $0x9;
	_ =	strace $0x80000048  }
0xb6: {  	_ =	swait.ge [sflag:s29], $0x1  }
0xb7: {  	[sflag:s29] =	ssyncadd.s32 $0xFFFFFFFF  }
0xb8: {  	_ =	strace $0x90000048  }
0xb9: {  	_ =	sfence  }
0xba: {  	s30 =	sld [smem:$0x0];
	_ =	sdelay $0x2  }
0xbb: {  	s31 =	sshll.u32 s1, $0xD;
	s1 =	sshrl.u32 s1, $0x2  }
0xbc: {  	s3 =	sand.u32 $0x4000, s31;
	s1 =	sadd.s32 s1, s30  }
0xbd: {  	s0 =	sor.u32 s3, s0;
	s1 =	sshll.u32 s1, $0x11  }
0xbe: {  	s0 =	sor.u32 s1, s0  }
0xbf: {  	s0 =	sadd.s32 $0x8F2B, s0  }
0xc0: {  	[sflag:s0] =	ssyncadd.remote.s32 $0x1  }
0xc1: {  	_ =	sfence.sel $0xFFFF  }
0xc2: {  	[dreg:$0x0] =	wrdreg $0xFFFFFFFF;
	(pc) =	sbr.abs _section_cstart, $3  }
0xc3: {  	[dreg:$0x1] =	wrdreg $0xFFFFFFFF  }
0xc4: {  	_ =	task.clear_ibuf [dreg:s9], $0x2FFFF;
	_ =	strace $0x9FFFFFFF  }
0xc5: {  	(tm) =	ssettm $0x7FFFFFFF  }
tec
execute0_lowered:
.L_overlay_start_1:
0x0: {  	(tag) =	ssettag $0x1  }
0x1: {  	s5 =	rddreg [dreg:$0x0]  }
0x2: {  	s2 =	rddreg [dreg:$0x1]  }
0x3: {  	s7 =	rddreg [dreg:$0x2];
	s3 =	srdreg.scid  }
0x4: {  	s0 =	rddreg [dreg:$0x3];
	s1 =	stileid.u32;
	s10 =	simm.s32 $0x2080  }
0x5: {  	s11 =	simm.s32 $0x3;
	s12 =	simm.s32 $0x1;
	s13 =	simm.s32 $0x2  }
0x6: {  	s14 =	simm.s32 $0x0;
	s4 =	sand.u32 $0x1, s3;
	s3 =	simm.s32 $0x0  }
0x7: {  	s6 =	sshll.u32 s1, $0xC;
	s8 =	sshll.u32 s4, $0xB;
	s4 =	ssub.s32 $0x2, s4  }
0x8: {  	[smem:$0x7FF] =	sst s3;
	s6 =	sor.u32 s8, s6;
	s31 =	sshrl.u32 s4, $0x1  }
0x9: {  	_ =	strace $0x80000047;
	s9 =	sor.u32 $0x400, s6;
	s8 =	ssub.s32 s4, s31  }
0xa: {  	s4 =	sadd.s32 s5, s6;
	s6 =	sadd.s32 s7, s6;
	s5 =	sadd.s32 s5, s9  }
0xb: {  	s7 =	sadd.s32 s7, s9;
	s8 =	smax.u32 s8, $0x1;
	s9 =	simm.s32 $0x80  }
.LBB2_1:
0xc: {  	[tilespmem:s9], [sflag:$0x1] =	stream.linear.gather [hbm4b:s4+s3], $0x2000, $0x38;
	[tilespmem:$0x4080] =	vst v63  }
0xd: {  	_ = 	snop  }
0xe: {  	[tilespmem:s10], [sflag:$0x1] =	stream.linear.gather [hbm4b:s5+s3], $0x2000, $0x38;
	[tilespmem:$0x4080] =	vst v63  }
0xf: {  	_ = 	snop  }
0x10: {  	[tilespmem:s3], [sflag:$0x3] =	stream.linear.gather [hbm4b:s2+s3], $0x80, $0x38;
	[tilespmem:$0x4080] =	vst v63  }
0x11: {  	_ =	swait.ge [sflag:s11], $0x80  }
0x12: {  	[sflag:s11] =	ssyncset.done $0x0  }
0x13: {  	[sflag:s11] =	ssyncadd.s32 $0xFFFFFF80  }
0x14: {  	v1 =	vld [tilespmem:$0x30]  }
0x15: {  	v0 =	vld.msk [tilespmem:$0x0 ss:$0x0], $0xffff;
	_ =	swait.ge [sflag:s12], $0x2000  }
0x16: {  	[sflag:s12] =	ssyncset.done $0x0  }
0x17: {  	s15 =	simm.s32 $0xC0;
	[sflag:s12] =	ssyncadd.s32 $0xFFFFE000  }
0x18: {  	v3 =	vld [tilespmem:s15+$0x30]  }
0x19: {  	v6 =	vld [tilespmem:s15+$0xFFFFFFD0]  }
0x1a: {  	v8 =	vld [tilespmem:s15+$0xFFFFFFE0]  }
0x1b: {  	v5 =	vld [tilespmem:s15+$0xFFFFFFF0]  }
0x1c: {  	v4 =	vld [tilespmem:s15+$0x0];
	v1 =	vbroadcast v1, $0xF  }
0x1d: {  	v2 =	vld [tilespmem:s15+$0x10];
	v7 =	vmax.f32 v3, v0  }
0x1e: {  	v9 =	vmax.f32 v6, v0;
	v3 =	vld [tilespmem:s15+$0x20];
	v10 =	vmin.f32 v7, v1  }
0x1f: {  	s16 =	simm.s32 $0x0;
	s17 =	simm.s32 $0x140;
	v6 =	vld [tilespmem:s15+$0xFFFFFFC0];
	v8 =	vmax.f32 v8, v0;
	v7 =	vmin.f32 v9, v1;
	[tilespmem:s15+$0x30] =	vst v10  }
.LBB2_2:
0x20: {  	v9 =	vld [tilespmem:s17+$0x30];
	s16 =	sadd.s32 $0x80, s16;
	[tilespmem:s15+$0xFFFFFFD0] =	vst v7;
	v7 =	vmin.f32 v8, v1;
	v5 =	vmax.f32 v5, v0  }
0x21: {  	v8 =	vld [tilespmem:s17+$0xFFFFFFD0];
	p0 =	slt.u32 s16, $0x1F80;
	[tilespmem:s15+$0xFFFFFFE0] =	vst v7;
	v5 =	vmin.f32 v5, v1;
	v4 =	vmax.f32 v4, v0  }
0x22: {  	v10 =	vld [tilespmem:s17+$0xFFFFFFE0];
	[tilespmem:s15+$0xFFFFFFF0] =	vst v5;
	v4 =	vmin.f32 v4, v1;
	v2 =	vmax.f32 v2, v0  }
.Ltmp0:
0x23: {  	v5 =	vld [tilespmem:s17+$0xFFFFFFF0];
	[tilespmem:s15+$0x0] =	vst v4;
	v2 =	vmin.f32 v2, v1;
	v3 =	vmax.f32 v3, v0;
	(pc) =	sbr.rel @p0 .LBB2_2-.Ltmp0, $4  }
0x24: {  	v4 =	vld [tilespmem:s17+$0x0];
	v6 =	vmax.f32 v6, v0;
	[tilespmem:s15+$0x10] =	vst v2;
	v3 =	vmin.f32 v3, v1  }
0x25: {  	v2 =	vld [tilespmem:s17+$0x10];
	v7 =	vmax.f32 v9, v0;
	v6 =	vmin.f32 v6, v1;
	[tilespmem:s15+$0x20] =	vst v3  }
0x26: {  	v8 =	vmax.f32 v8, v0;
	v3 =	vld [tilespmem:s17+$0x20];
	v9 =	vmin.f32 v7, v1;
	[tilespmem:s15+$0xFFFFFFC0] =	vst v6;
	s15 =	smov.u32 s17  }
0x27: {  	s17 =	sadd.s32 $0x80, s17;
	v6 =	vld [tilespmem:s15+$0xFFFFFFC0];
	v7 =	vmin.f32 v8, v1;
	v8 =	vmax.f32 v10, v0;
	[tilespmem:s15+$0x30] =	vst v9  }
0x28: {  	[tilespmem:s15+$0xFFFFFFD0] =	vst v7;
	v7 =	vmin.f32 v8, v1;
	v5 =	vmax.f32 v5, v0  }
0x29: {  	[tilespmem:s15+$0xFFFFFFE0] =	vst v7;
	v5 =	vmin.f32 v5, v1;
	v4 =	vmax.f32 v4, v0  }
0x2a: {  	[tilespmem:s15+$0xFFFFFFF0] =	vst v5;
	v4 =	vmin.f32 v4, v1;
	v2 =	vmax.f32 v2, v0  }
0x2b: {  	[tilespmem:s15+$0x0] =	vst v4;
	v2 =	vmin.f32 v2, v1;
	v3 =	vmax.f32 v3, v0  }
0x2c: {  	v4 =	vmax.f32 v6, v0;
	[tilespmem:s15+$0x10] =	vst v2;
	v2 =	vmin.f32 v3, v1  }
0x2d: {  	v3 =	vmin.f32 v4, v1;
	[tilespmem:s15+$0x20] =	vst v2  }
0x2e: {  	[tilespmem:s15+$0xFFFFFFC0] =	vst v3  }
0x2f: {  	[hbm4b:s6+s3] =	stream.linear.scatter [tilespmem:s9], [sflag:$0x2], $0x2000, $0x38;
	[tilespmem:$0x4080] =	vst v63  }
0x30: {  	_ =	swait.ge [sflag:s12], $0x2000  }
0x31: {  	[sflag:s12] =	ssyncset.done $0x0  }
0x32: {  	s15 =	simm.s32 $0x20F0;
	[sflag:s12] =	ssyncadd.s32 $0xFFFFE000  }
0x33: {  	v3 =	vld [tilespmem:s15+$0x0]  }
0x34: {  	v6 =	vld [tilespmem:s15+$0xFFFFFFA0]  }
0x35: {  	v8 =	vld [tilespmem:s15+$0xFFFFFFB0]  }
0x36: {  	v5 =	vld [tilespmem:s15+$0xFFFFFFC0]  }
0x37: {  	v4 =	vld [tilespmem:s15+$0xFFFFFFD0]  }
0x38: {  	v2 =	vld [tilespmem:s15+$0xFFFFFFE0];
	v7 =	vmax.f32 v3, v0  }
0x39: {  	v9 =	vmax.f32 v6, v0;
	v3 =	vld [tilespmem:s15+$0xFFFFFFF0];
	v10 =	vmin.f32 v7, v1  }
0x3a: {  	s16 =	simm.s32 $0x2000;
	s17 =	simm.s32 $0x2170;
	v6 =	vld [tilespmem:s15+$0xFFFFFF90];
	v8 =	vmax.f32 v8, v0;
	v7 =	vmin.f32 v9, v1;
	[tilespmem:s15+$0x0] =	vst v10  }
.LBB2_4:
0x3b: {  	v9 =	vld [tilespmem:s17+$0x0];
	s16 =	sadd.s32 $0x80, s16;
	[tilespmem:s15+$0xFFFFFFA0] =	vst v7;
	v7 =	vmin.f32 v8, v1;
	v5 =	vmax.f32 v5, v0  }
0x3c: {  	v8 =	vld [tilespmem:s17+$0xFFFFFFA0];
	p0 =	slt.u32 s16, $0x3F80;
	[tilespmem:s15+$0xFFFFFFB0] =	vst v7;
	v5 =	vmin.f32 v5, v1;
	v4 =	vmax.f32 v4, v0  }
0x3d: {  	v10 =	vld [tilespmem:s17+$0xFFFFFFB0];
	[tilespmem:s15+$0xFFFFFFC0] =	vst v5;
	v4 =	vmin.f32 v4, v1;
	v2 =	vmax.f32 v2, v0  }
.Ltmp1:
0x3e: {  	v5 =	vld [tilespmem:s17+$0xFFFFFFC0];
	[tilespmem:s15+$0xFFFFFFD0] =	vst v4;
	v2 =	vmin.f32 v2, v1;
	v3 =	vmax.f32 v3, v0;
	(pc) =	sbr.rel @p0 .LBB2_4-.Ltmp1, $4  }
0x3f: {  	v4 =	vld [tilespmem:s17+$0xFFFFFFD0];
	v6 =	vmax.f32 v6, v0;
	[tilespmem:s15+$0xFFFFFFE0] =	vst v2;
	v3 =	vmin.f32 v3, v1  }
0x40: {  	v2 =	vld [tilespmem:s17+$0xFFFFFFE0];
	v7 =	vmax.f32 v9, v0;
	v6 =	vmin.f32 v6, v1;
	[tilespmem:s15+$0xFFFFFFF0] =	vst v3  }
0x41: {  	v8 =	vmax.f32 v8, v0;
	v3 =	vld [tilespmem:s17+$0xFFFFFFF0];
	v9 =	vmin.f32 v7, v1;
	[tilespmem:s15+$0xFFFFFF90] =	vst v6;
	s15 =	smov.u32 s17  }
0x42: {  	s17 =	sadd.s32 $0x80, s17;
	v6 =	vld [tilespmem:s15+$0xFFFFFF90];
	v7 =	vmin.f32 v8, v1;
	v8 =	vmax.f32 v10, v0;
	[tilespmem:s15+$0x0] =	vst v9  }
0x43: {  	[tilespmem:s15+$0xFFFFFFA0] =	vst v7;
	v61 =	vmin.f32 v8, v1;
	v5 =	vmax.f32 v5, v0  }
0x44: {  	[tilespmem:s15+$0xFFFFFFB0] =	vst v61;
	v5 =	vmin.f32 v5, v1;
	v4 =	vmax.f32 v4, v0  }
0x45: {  	[tilespmem:s15+$0xFFFFFFC0] =	vst v5;
	v4 =	vmin.f32 v4, v1;
	v2 =	vmax.f32 v2, v0  }
0x46: {  	[tilespmem:s15+$0xFFFFFFD0] =	vst v4;
	v2 =	vmin.f32 v2, v1;
	v3 =	vmax.f32 v3, v0  }
0x47: {  	v62 =	vmax.f32 v6, v0;
	[tilespmem:s15+$0xFFFFFFE0] =	vst v2;
	v63 =	vmin.f32 v3, v1  }
0x48: {  	v0 =	vmin.f32 v62, v1;
	[tilespmem:s15+$0xFFFFFFF0] =	vst v63  }
0x49: {  	s14 =	sadd.s32 $0x1, s14;
	[tilespmem:s15+$0xFFFFFF90] =	vst v0  }
0x4a: {  	[hbm4b:s7+s3] =	stream.linear.scatter [tilespmem:s10], [sflag:$0x2], $0x2000, $0x38;
	[tilespmem:$0x4080] =	vst v63  }
0x4b: {  	p0 =	sne.s32 s14, s8;
	_ =	swait.ge [sflag:s13], $0x2000  }
.Ltmp2:
0x4c: {  	[sflag:s13] =	ssyncset.done $0x0;
	(pc) =	sbr.rel @p0 .LBB2_1-.Ltmp2, $4  }
0x4d: {  	[sflag:s13] =	ssyncadd.s32 $0xFFFFE000  }
0x4e: {  	_ =	swait.ge [sflag:s13], $0x2000  }
0x4f: {  	[sflag:s13] =	ssyncset.done $0x0  }
0x50: {  	[sflag:s13] =	ssyncadd.s32 $0xFFFFE000  }
0x51: {  	_ =	sfence.sel $0x180000  }
0x52: {  	[bflag:$0x0] =	sbarrier.arrive $0xFFFF  }
0x53: {  	p0 =	sne.s32 s1, $0x0;
	_ =	strace $0x90000047  }
0x54: {  	s0 =	sadd.s32 @!p0 $0x100000, s0;
	[bflag:$0x2] =	sbarrier.arrive $0xFFFF  }
0x55: {  	[sflag:s0] =	ssyncadd.tile.s32 @!p0 $0x1;
	_ =	shalt  }
.Lfunc_end2:
_tile_overlayer_lowered:
.L_overlay_start_2:
0x56: {  	(tag) =	ssettag $0x2  }
0x57: {  	s0 =	rddreg [dreg:$0x0];
	s2 =	stileid.u32  }
0x58: {  	s1 =	rddreg [dreg:$0x1];
	p0 =	sne.s32 s2, $0x0  }
0x59: {  	s3 =	rddreg [dreg:$0x2];
	[bflag:$0x3] =	sbarrier.arrive $0xFFFF;
	s2 =	simm.s32 @!p0 $0x1C03  }
0x5a: {  	[timem:s3], [sflag:s2] =	dma.local @!p0 [hbm:s0], s1  }
0x5b: {  	s0 =	simm.s32 @!p0 $0x3  }
0x5c: {  	_ =	swait.ge @!p0 [sflag:s0], s1  }
0x5d: {  	s1 =	ssub.s32 @!p0 $0x0, s1;
	[sflag:s0] =	ssyncset.done @!p0 $0x0  }
0x5e: {  	[sflag:s0] =	ssyncadd.s32 @!p0 s1  }
0x5f: {  	[bflag:$0x3] =	sbarrier.arrive $0xFFFF  }
0x60: {  	_ =	shalt  }

</sc_bundles>
